<compile_context>
chip_gen: v7x
topology: tpu7x:2x2x1
jax: 0.10.2.dev20260603
libtpu: 0.0.44.dev20260713+nightly
codegen_flags: <defaults>
</compile_context>

<pallas_src>
import functools

import jax
import jax.numpy as jnp
from jax.experimental import pallas as pl

MAX_ITERATIONS = 100
RELATIVE_RMSE_THR = 1e-05
_QB = 512


def _knn_kernel(xt_ref, xsq_ref, y_ref, ytr_ref, idx_ref, *, n_keys):
    xt = xt_ref[0]
    xx = xsq_ref[0]
    y = y_ref[0]
    ytr = ytr_ref[0]

    mm = jax.lax.dot_general(xt, y, (((1,), (1,)), ((), ())),
                             preferred_element_type=jnp.float32)
    d = (xx + ytr[3:4, :]) - 2.0 * mm

    minv = jnp.min(d, axis=1, keepdims=True)
    iota = jax.lax.broadcasted_iota(jnp.int32, d.shape, 1)
    idx_ref[0] = jnp.min(jnp.where(d == minv, iota, n_keys),
                         axis=1, keepdims=True)


def _alignment(x, y):
    b, n, dim = x.shape
    xmu = jnp.mean(x, axis=1, keepdims=True)
    ymu = jnp.mean(y, axis=1, keepdims=True)
    xc = x - xmu
    yc = y - ymu
    xycov = jnp.einsum('bni,bnj->bij', xc, yc) / n
    u, _, vh = jnp.linalg.svd(xycov, full_matrices=False)
    detuv = jnp.linalg.det(jnp.matmul(u, vh))
    e = jnp.tile(jnp.eye(dim, dtype=x.dtype)[None], (b, 1, 1))
    e = e.at[:, -1, -1].set(detuv)
    r = jnp.matmul(u, jnp.matmul(e, vh))
    t = ymu[:, 0, :] - jnp.matmul(xmu, r)[:, 0, :]
    return r, t


def kernel(from_vertices, to_vertices):
    x = from_vertices
    y = to_vertices
    b, n, dim = x.shape
    f32 = jnp.float32

    knn = pl.pallas_call(
        functools.partial(_knn_kernel, n_keys=n),
        grid=(b, n // _QB),
        in_specs=[
            pl.BlockSpec((1, _QB, dim), lambda i, j: (i, j, 0)),
            pl.BlockSpec((1, _QB, 1), lambda i, j: (i, j, 0)),
            pl.BlockSpec((1, n, dim), lambda i, j: (i, 0, 0)),
            pl.BlockSpec((1, 4, n), lambda i, j: (i, 0, 0)),
        ],
        out_specs=pl.BlockSpec((1, _QB, 1), lambda i, j: (i, j, 0)),
        out_shape=jax.ShapeDtypeStruct((b, n, 1), jnp.int32),
    )

    ones_s = jnp.ones((b,), f32)
    r0, t0 = _alignment(x, y)
    fv = ones_s[:, None, None] * jnp.matmul(x, r0) + t0[:, None, :]

    ysq = jnp.sum(y * y, axis=-1)
    ytr = jnp.concatenate([jnp.swapaxes(y, 1, 2), ysq[:, None, :]], axis=1)

    def cond(carry):
        _, _, converged, i = carry
        return jnp.logical_and(jnp.logical_not(converged), i < MAX_ITERATIONS)

    def body(carry):
        xt, prev_rmse, _, i = carry
        xsq = jnp.sum(xt * xt, axis=-1, keepdims=True)
        idx = knn(xt, xsq, y, ytr)[:, :, 0]
        ynn = jnp.take_along_axis(y, idx[:, :, None], axis=1)
        r, t = _alignment(fv, ynn)
        xt_new = ones_s[:, None, None] * jnp.matmul(fv, r) + t[:, None, :]
        sq = jnp.sum((xt_new - ynn) ** 2, axis=-1)
        rmse = jnp.sqrt(jnp.mean(sq, axis=1))
        rel = jnp.where(i == 0, jnp.ones((b,), dtype=rmse.dtype),
                        (prev_rmse - rmse) / prev_rmse)
        newly = jnp.all(rel <= RELATIVE_RMSE_THR)
        return (xt_new, rmse, newly, i + 1)

    carry0 = (fv, jnp.ones((b,), f32), jnp.array(False), jnp.int32(0))
    xt_fin, _, _, _ = jax.lax.while_loop(cond, body, carry0)
    return xt_fin

# --- scband reference (transcript-rebuilt; emitter-appended) ---
"""Pipeline reference for scband-icp-7421703487935 (READ-ONLY COPY).

The authoritative reference and input builder live on the scoring server;
editing this copy changes nothing except your own understanding.
"""

import jax, jax.numpy as jnp
import numpy as np

MAX_ITERATIONS = 100
RELATIVE_RMSE_THR = 1e-05


def corresponding_points_alignment(X, Y):
    # Umeyama rigid alignment (estimate_scale=False, allow_reflection=False),
    # faithful to pytorch3d.ops.corresponding_points_alignment with weights=None.
    B, N, dim = X.shape
    Xmu = jnp.mean(X, axis=1, keepdims=True)
    Ymu = jnp.mean(Y, axis=1, keepdims=True)
    Xc = X - Xmu
    Yc = Y - Ymu
    XYcov = jnp.einsum('bni,bnj->bij', Xc, Yc) / N
    U, S, Vh = jnp.linalg.svd(XYcov, full_matrices=False)
    detUV = jnp.linalg.det(jnp.matmul(U, Vh))
    E = jnp.tile(jnp.eye(dim, dtype=X.dtype)[None], (B, 1, 1))
    E = E.at[:, -1, -1].set(detUV)
    R = jnp.matmul(U, jnp.matmul(E, Vh))
    s = jnp.ones((B,), dtype=X.dtype)
    T = Ymu[:, 0, :] - jnp.matmul(Xmu, R)[:, 0, :]
    return R, T, s


def _apply_similarity_transform(X, R, T, s):
    # pytorch3d convention: row vectors, X' = s * X @ R + T
    return s[:, None, None] * jnp.matmul(X, R) + T[:, None, :]


def _knn_gather(Xt, Y):
    # K=1 nearest neighbor of each Xt point in Y. Indices are non-differentiable,
    # so distances are computed under stop_gradient; the gather of Y stays differentiable.
    Xs = jax.lax.stop_gradient(Xt)
    Ys = jax.lax.stop_gradient(Y)
    d = (jnp.sum(Xs * Xs, axis=-1, keepdims=True)
         + jnp.sum(Ys * Ys, axis=-1)[:, None, :]
         - 2.0 * jnp.einsum('bnd,bmd->bnm', Xs, Ys))
    idx = jnp.argmin(d, axis=-1)  # [B, N]
    return jnp.take_along_axis(Y, idx[:, :, None], axis=1)


def iterative_closest_point(X, Y):
    # pytorch3d.ops.iterative_closest_point with defaults (max_iterations=100,
    # relative_rmse_thr=1e-5, estimate_scale=False, allow_reflection=False).
    # The python-loop early break is emulated with a converged mask inside lax.scan.
    B = X.shape[0]

    def step(carry, i):
        Xt, prev_rmse, converged = carry
        Xt_nn = _knn_gather(Xt, Y)
        R, T, s = corresponding_points_alignment(X, Xt_nn)
        Xt_new = _apply_similarity_transform(X, R, T, s)
        sq = jnp.sum((Xt_new - Xt_nn) ** 2, axis=-1)
        rmse = jnp.sqrt(jnp.mean(sq, axis=1))
        rel = jnp.where(i == 0, jnp.ones((B,), dtype=rmse.dtype), (prev_rmse - rmse) / prev_rmse)
        newly_converged = jnp.all(rel <= RELATIVE_RMSE_THR)
        Xt_out = jnp.where(converged, Xt, Xt_new)
        rmse_out = jnp.where(converged, prev_rmse, rmse)
        conv_out = converged | newly_converged
        return (Xt_out, rmse_out, conv_out), None

    init = (X, jnp.ones((B,), dtype=X.dtype), jnp.array(False))
    (Xt, _, _), _ = jax.lax.scan(step, init, jnp.arange(MAX_ITERATIONS))
    return Xt


def setup_inputs(seed: int = 0):
    key = jax.random.key(seed)
    k1, k2 = jax.random.split(key)
    from_vertices = jax.random.normal(k1, (4, 4096, 3), dtype=jnp.float32)
    to_vertices = jax.random.normal(k2, (4, 4096, 3), dtype=jnp.float32)
    return {"from_vertices": from_vertices, "to_vertices": to_vertices}


def reference(from_vertices, to_vertices):
    # ICP.forward with correspondence=True: first do a corresponding-points
    # alignment (same N assumed), apply it, then run full ICP.
    R, T, s = corresponding_points_alignment(from_vertices, to_vertices)
    fv = _apply_similarity_transform(from_vertices, R, T, s)
    Xt = iterative_closest_point(fv, to_vertices)
    return Xt

if __name__ == "__main__":
    import jax
    _d = setup_inputs()
    print(jax.jit(kernel)(*tuple(_d.values())))

</pallas_src>

<mosaic_0001>
module attributes {stable_mosaic.version = 14 : i64} {
  func.func @_knn_kernel(%arg0: i32, %arg1: i32, %arg2: memref<1x512x3xf32, #tpu.memory_space<vmem>>, %arg3: memref<1x512x1xf32, #tpu.memory_space<vmem>>, %arg4: memref<1x4096x3xf32, #tpu.memory_space<vmem>>, %arg5: memref<1x4x4096xf32, #tpu.memory_space<vmem>>, %arg6: memref<1x512x1xi32, #tpu.memory_space<vmem>>) attributes {dimension_semantics = [#tpu.dimension_semantics<arbitrary>, #tpu.dimension_semantics<arbitrary>], iteration_bounds = array<i64: 4, 8>, scalar_prefetch = 0 : i64, scratch_operands = 0 : i64, tpu.core_type = #tpu.core_type<tc>, window_params = [{transform_indices = @transform_0, window_bounds = array<i64: 1, 512, 3>}, {transform_indices = @transform_1, window_bounds = array<i64: 1, 512, 1>}, {transform_indices = @transform_2, window_bounds = array<i64: 1, 4096, 3>}, {transform_indices = @transform_3, window_bounds = array<i64: 1, 4, 4096>}, {transform_indices = @transform_4, window_bounds = array<i64: 1, 512, 1>}]} {
    %get3A = arith.constant 0 : index
    %get3A_0 = arith.constant 0 : index
    %get3A_1 = arith.constant 0 : index
    %get3A_2 = vector.load %arg2[%get3A, %get3A_0, %get3A_1] : memref<1x512x3xf32, #tpu.memory_space<vmem>>, vector<1x512x3xf32>
    %get3A_3 = vector.shape_cast %get3A_2 : vector<1x512x3xf32> to vector<512x3xf32>
    %get3A_4 = arith.constant 0 : index
    %get3A_5 = arith.constant 0 : index
    %get3A_6 = arith.constant 0 : index
    %get3A_7 = vector.load %arg3[%get3A_4, %get3A_5, %get3A_6] : memref<1x512x1xf32, #tpu.memory_space<vmem>>, vector<1x512x1xf32>
    %get3A_8 = vector.shape_cast %get3A_7 : vector<1x512x1xf32> to vector<512x1xf32>
    %get3A_9 = arith.constant 0 : index
    %get3A_10 = arith.constant 0 : index
    %get3A_11 = arith.constant 0 : index
    %get3A_12 = vector.load %arg4[%get3A_9, %get3A_10, %get3A_11] : memref<1x4096x3xf32, #tpu.memory_space<vmem>>, vector<1x4096x3xf32>
    %get3A_13 = vector.shape_cast %get3A_12 : vector<1x4096x3xf32> to vector<4096x3xf32>
    %get3A_14 = arith.constant 0 : index
    %get3A_15 = arith.constant 0 : index
    %get3A_16 = arith.constant 0 : index
    %get3A_17 = vector.load %arg5[%get3A_14, %get3A_15, %get3A_16] : memref<1x4x4096xf32, #tpu.memory_space<vmem>>, vector<1x4x4096xf32>
    %get3A_18 = vector.shape_cast %get3A_17 : vector<1x4x4096xf32> to vector<4x4096xf32>
    %dot_general3A = arith.constant dense<0.000000e+00> : vector<512x4096xf32>
    %dot_general3A_19 = tpu.matmul %get3A_3, %get3A_13, %dot_general3A {dimension_numbers = #tpu.dot_dimension_numbers<[1], [1], [0], [0], [0, 0, 1, 0], [], []>, transpose_lhs_hint = false} : vector<512x3xf32>, vector<4096x3xf32>, vector<512x4096xf32> -> vector<512x4096xf32>
    %slice3A = vector.extract_strided_slice %get3A_18 {offsets = [3, 0], sizes = [1, 4096], strides = [1, 1]} : vector<4x4096xf32> to vector<1x4096xf32>
    %add3A = vector.broadcast %get3A_8 : vector<512x1xf32> to vector<512x4096xf32>
    %add3A_20 = vector.broadcast %slice3A : vector<1x4096xf32> to vector<512x4096xf32>
    %add3A_21 = arith.addf %add3A, %add3A_20 : vector<512x4096xf32>
    %mul3A = arith.constant 2.000000e+00 : f32
    %mul3A_22 = vector.broadcast %mul3A : f32 to vector<512x4096xf32>
    %mul3A_23 = arith.mulf %mul3A_22, %dot_general3A_19 : vector<512x4096xf32>
    %sub3A = arith.subf %add3A_21, %mul3A_23 : vector<512x4096xf32>
    %reduce_min3A = arith.constant dense<0x7F800000> : vector<512xf32>
    %reduce_min3A_24 = vector.multi_reduction <minimumf>, %sub3A, %reduce_min3A [1] : vector<512x4096xf32> to vector<512xf32>
    %broadcast_in_dim3A = vector.shape_cast %reduce_min3A_24 : vector<512xf32> to vector<512x1xf32>
    %iota3A = tpu.iota {dimensions = array<i32: 1>} : vector<512x4096xi32>
    %eq3A = vector.broadcast %broadcast_in_dim3A : vector<512x1xf32> to vector<512x4096xf32>
    %eq3A_25 = arith.cmpf oeq, %sub3A, %eq3A : vector<512x4096xf32>
    %jit3A = arith.constant 4096 : i32
    %broadcast_in_dim3A_26 = vector.broadcast %jit3A : i32 to vector<512x4096xi32>
    %select_n3A = arith.select %eq3A_25, %iota3A, %broadcast_in_dim3A_26 : vector<512x4096xi1>, vector<512x4096xi32>
    %reduce_min3A_27 = arith.constant dense<2147483647> : vector<512xi32>
    %reduce_min3A_28 = vector.multi_reduction <minsi>, %select_n3A, %reduce_min3A_27 [1] : vector<512x4096xi32> to vector<512xi32>
    %broadcast_in_dim3A_29 = vector.shape_cast %reduce_min3A_28 : vector<512xi32> to vector<512x1xi32>
    %swap3A = arith.constant 0 : index
    %swap3A_30 = arith.constant 0 : index
    %swap3A_31 = arith.constant 0 : index
    %swap3A_32 = vector.load %arg6[%swap3A, %swap3A_30, %swap3A_31] : memref<1x512x1xi32, #tpu.memory_space<vmem>>, vector<1x512x1xi32>
    %swap3A_33 = vector.shape_cast %swap3A_32 : vector<1x512x1xi32> to vector<512x1xi32>
    %swap3A_34 = vector.shape_cast %broadcast_in_dim3A_29 : vector<512x1xi32> to vector<1x512x1xi32>
    tpu.vector_store %arg6[%swap3A, %swap3A_30, %swap3A_31], %swap3A_34 {strides = array<i32>} : memref<1x512x1xi32, #tpu.memory_space<vmem>>, vector<1x512x1xi32>,
    return
  }
  func.func @transform_0(%arg0: i32, %arg1: i32) -> (i32, i32, i32) {
    %c0_i32 = arith.constant 0 : i32
    %c0_i32_0 = arith.constant 0 : i32
    return %arg0, %arg1, %c0_i32 : i32, i32, i32
  }
  func.func @transform_1(%arg0: i32, %arg1: i32) -> (i32, i32, i32) {
    %c0_i32 = arith.constant 0 : i32
    %c0_i32_0 = arith.constant 0 : i32
    return %arg0, %arg1, %c0_i32 : i32, i32, i32
  }
  func.func @transform_2(%arg0: i32, %arg1: i32) -> (i32, i32, i32) {
    %c0_i32 = arith.constant 0 : i32
    %c0_i32_0 = arith.constant 0 : i32
    %c0_i32_1 = arith.constant 0 : i32
    return %arg0, %c0_i32, %c0_i32_0 : i32, i32, i32
  }
  func.func @transform_3(%arg0: i32, %arg1: i32) -> (i32, i32, i32) {
    %c0_i32 = arith.constant 0 : i32
    %c0_i32_0 = arith.constant 0 : i32
    %c0_i32_1 = arith.constant 0 : i32
    return %arg0, %c0_i32, %c0_i32_0 : i32, i32, i32
  }
  func.func @transform_4(%arg0: i32, %arg1: i32) -> (i32, i32, i32) {
    %c0_i32 = arith.constant 0 : i32
    %c0_i32_0 = arith.constant 0 : i32
    return %arg0, %arg1, %c0_i32 : i32, i32, i32
  }
}

</mosaic_0001>

<sc_bundles>
// kernel: gather_offload_async_start
scs
__scs_entry_jumppad:
0x0: {  	(pc) =	sbr.rel $0x88, $3  }
0x1: {  	(tag) =	ssettag $0x0;
	lr =	simm.s32 $0x1  }
0x2: {  	[smem:$0x3F9F] =	sst lr;
	_ =	strace $0xD0000000  }
0x3: {  	_ = 	snop  }
0x4: {  	_ = 	snop  }
0x5: {  	_ = 	snop  }
0x6: {  	_ = 	snop  }
0x7: {  	_ = 	snop  }
__scs_overlays_trampoline_lowered:
0x8: {  	[smem:$0x3FAE] =	sst s0  }
0x9: {  	[smem:$0x3FAF] =	sst s1  }
0xa: {  	[smem:$0x3FB0] =	sst s2  }
0xb: {  	[smem:$0x3FB1] =	sst s3  }
0xc: {  	[smem:$0x3FB2] =	sst s4  }
0xd: {  	[smem:$0x3FB3] =	sst s5  }
0xe: {  	[smem:$0x3FB4] =	sst s6  }
0xf: {  	[smem:$0x3FB5] =	sst s7  }
0x10: {  	[smem:$0x3FB6] =	sst s8  }
0x11: {  	[smem:$0x3FB7] =	sst s9;
	s0 =	simm.s32 @!p0 $0x0  }
0x12: {  	s1 =	sld [smem:$0x3F9D];
	s0 =	simm.s32 @p0 $0x1  }
0x13: {  	[smem:$0x3FB8] =	sst s0;
	s0 =	simm.s32 @!p1 $0x0  }
0x14: {  	s2 =	sld [smem:$0x3F9C];
	s0 =	simm.s32 @p1 $0x1  }
0x15: {  	[smem:$0x3FB9] =	sst s0;
	s0 =	simm.s32 @!p2 $0x0  }
0x16: {  	s3 =	sld [smem:$0x3FDB];
	s0 =	simm.s32 @p2 $0x1  }
0x17: {  	s4 =	simm.s32 $0x1BF5;
	[smem:$0x3FBB] =	sst s0  }
0x18: {  	s0 =	sld [smem:$0x3F9E];
	_ =	swait.ge [sflag:s4], $0x0  }
0x19: {  	s7 =	sld [smem:$0x3F9F]  }
0x1a: {  	s8 =	sadd.s32 $0xFFFFE003, lr  }
0x1b: {  	s9 =	sadd.s32 $0xFFFFFEF7, lr;
	s5 =	simm.s32 $0xFFFFFFFF;
	p2 =	slt.u32 s8, $0xFFFFF086  }
0x1c: {  	p1 =	slt.u32 s9, $0xF7A;
	s5 =	simm.s32 @!p2 $0x0  }
0x1d: {  	s5 =	simm.s32 @p1 $0x1;
	p0 =	seq.s32 s7, s2  }
0x1e: {  	s7 =	smul.u32 @!p0 $0xF7A, s2;
	p2 =	seq.s32 @!p0 s5, $0x0  }
0x1f: {  	s9 =	smul.u32 $0xF7A, s1;
	s8 =	simm.s32 @!p0 $0x1BF5;
	p2 =	por !p2, p0  }
0x20: {  	[sflag:s8] =	ssyncset.s32 @!p0 $0xFFFFF086;
	s6 =	sadd.s32 @!p0 s3, s7;
	s7 =	simm.s32 @!p0 $0x108  }
0x21: {  	s3 =	sadd.s32 s3, s9;
	s6 =	sadd.s32 @!p0 $0x88, s6;
	s7 =	simm.s32 @p2 $0x1082  }
0x22: {  	[simem:s7], [sflag:s8] =	dma.local @!p0 [hbm:s6], $0xF7A  }
0x23: {  	s9 =	sor.u32 $0xD0000000, s2;
	s6 =	simm.s32 $0x108;
	_ =	swait.ge @!p0 [sflag:s8], $0x0  }
0x24: {  	s3 =	sadd.s32 $0x88, s3;
	s6 =	simm.s32 @!p1 $0x1082;
	[sflag:s4] =	ssyncset.s32 $0xFFFFF086  }
0x25: {  	[simem:s6], [sflag:s4] =	dma.local [hbm:s3], $0xF7A  }
0x26: {  	[smem:$0x3F9F] =	sst s1;
	(tag) =	ssettag s2;
	_ =	strace s9  }
0x27: {  	s1 =	sld [smem:$0x3FAF]  }
0x28: {  	s2 =	sld [smem:$0x3FB0]  }
0x29: {  	s4 =	sld [smem:$0x3FB2]  }
0x2a: {  	p0 =	seq.s32 s5, $0x0;
	s5 =	sld [smem:$0x3FB3]  }
0x2b: {  	s6 =	sld [smem:$0x3FB4]  }
0x2c: {  	s7 =	sld [smem:$0x3FB5]  }
0x2d: {  	s3 =	simm.s32 $0x108;
	s8 =	sld [smem:$0x3FB6]  }
0x2e: {  	s3 =	simm.s32 @!p0 $0x1082;
	s9 =	sld [smem:$0x3FB7]  }
0x2f: {  	lr =	sadd.s32 s0, s3;
	s0 =	sld [smem:$0x3FAE]  }
0x30: {  	s3 =	sld [smem:$0x3FB1]  }
0x31: {  	[smem:$0x3FBA] =	sst s10  }
0x32: {  	s10 =	sld [smem:$0x3FB8];
	_ =	sdelay $0x3  }
0x33: {  	p0 =	seq.s32 s10, $0x1;
	s10 =	sld [smem:$0x3FBA];
	_ =	sdelay $0x3  }
0x34: {  	[smem:$0x3FBA] =	sst s10  }
0x35: {  	s10 =	sld [smem:$0x3FB9];
	_ =	sdelay $0x3  }
0x36: {  	p1 =	seq.s32 s10, $0x1;
	s10 =	sld [smem:$0x3FBA];
	_ =	sdelay $0x3  }
0x37: {  	[smem:$0x3FBA] =	sst s10  }
0x38: {  	s10 =	sld [smem:$0x3FBB]  }
0x39: {  	_ = 	snop;
	(pc) =	sbr.ind lr, $3  }
0x3a: {  	_ = 	snop  }
0x3b: {  	_ = 	snop  }
0x3c: {  	p2 =	seq.s32 s10, $0x1;
	s10 =	sld [smem:$0x3FBA]  }
0x3d: {  	_ =	shalt  }
0x3e: {  	_ =	shalt  }
0x3f: {  	_ =	shalt  }
0x40: {  	_ =	shalt  }
0x41: {  	_ =	shalt  }
0x42: {  	_ =	shalt  }
0x43: {  	_ =	shalt  }
0x44: {  	_ =	shalt  }
0x45: {  	_ =	shalt  }
0x46: {  	_ =	shalt  }
0x47: {  	_ =	shalt  }
0x48: {  	_ =	shalt  }
0x49: {  	_ =	shalt  }
0x4a: {  	_ =	shalt  }
0x4b: {  	_ =	shalt  }
0x4c: {  	_ =	shalt  }
0x4d: {  	_ =	shalt  }
0x4e: {  	_ =	shalt  }
0x4f: {  	_ =	shalt  }
0x50: {  	_ =	shalt  }
0x51: {  	_ =	shalt  }
0x52: {  	_ =	shalt  }
0x53: {  	_ =	shalt  }
0x54: {  	_ =	shalt  }
0x55: {  	_ =	shalt  }
0x56: {  	_ =	shalt  }
0x57: {  	_ =	shalt  }
0x58: {  	_ =	shalt  }
0x59: {  	_ =	shalt  }
0x5a: {  	_ =	shalt  }
0x5b: {  	_ =	shalt  }
0x5c: {  	_ =	shalt  }
0x5d: {  	_ =	shalt  }
0x5e: {  	_ =	shalt  }
0x5f: {  	_ =	shalt  }
0x60: {  	_ =	shalt  }
0x61: {  	_ =	shalt  }
0x62: {  	_ =	shalt  }
0x63: {  	_ =	shalt  }
0x64: {  	_ =	shalt  }
0x65: {  	_ =	shalt  }
0x66: {  	_ =	shalt  }
0x67: {  	_ =	shalt  }
0x68: {  	_ =	shalt  }
0x69: {  	_ =	shalt  }
0x6a: {  	_ =	shalt  }
0x6b: {  	_ =	shalt  }
0x6c: {  	_ =	shalt  }
0x6d: {  	_ =	shalt  }
0x6e: {  	_ =	shalt  }
0x6f: {  	_ =	shalt  }
0x70: {  	_ =	shalt  }
0x71: {  	_ =	shalt  }
0x72: {  	_ =	shalt  }
0x73: {  	_ =	shalt  }
0x74: {  	_ =	shalt  }
0x75: {  	_ =	shalt  }
0x76: {  	_ =	shalt  }
0x77: {  	_ =	shalt  }
0x78: {  	_ =	shalt  }
0x79: {  	_ =	shalt  }
0x7a: {  	_ =	shalt  }
0x7b: {  	_ =	shalt  }
0x7c: {  	_ =	shalt  }
0x7d: {  	_ =	shalt  }
0x7e: {  	_ =	shalt  }
0x7f: {  	_ =	shalt  }
0x80: {  	_ =	shalt  }
0x81: {  	_ =	shalt  }
0x82: {  	_ =	shalt  }
0x83: {  	_ =	shalt  }
0x84: {  	_ =	shalt  }
0x85: {  	_ =	shalt  }
0x86: {  	_ =	shalt  }
0x87: {  	_ =	shalt  }
.Lfunc_end0:
.L_simem_size_0:
called_computation_lowered:
.L_overlay_start_0:
0x88: {  	s2 =	sld [smem:$0x3FD9]  }
0x89: {  	s3 =	sld [smem:$0x3FFE];
	_ =	sdelay $0x1  }
0x8a: {  	s1 =	srdreg.scid  }
0x8b: {  	s0 =	sand.u32 $0x1, s1  }
0x8c: {  	s17 =	sshll.u32 s0, $0xA;
	s2 =	sadd.s32 s3, s2  }
0x8d: {  	s2 =	sadd.s32 s2, s17  }
0x8e: {  	[smem:$0x3FC6] =	sst s2  }
0x8f: {  	_ = 	snop  }
0x90: {  	s2 =	sld [smem:$0x3FD0];
	(tm) =	ssettm $0x1  }
0x91: {  	s18 =	sld [smem:$0x3FFB];
	_ =	sdelay $0x3  }
0x92: {  	_ =	strace s18  }
0x93: {  	s3 =	sld [smem:$0x3FFC];
	_ =	sdelay $0x3  }
0x94: {  	_ =	strace s3  }
0x95: {  	s3 =	sld [smem:$0x3FFD];
	_ =	sdelay $0x3  }
0x96: {  	_ =	strace s3  }
0x97: {  	_ =	strace $0x8FFFFFFF  }
0x98: {  	s19 =	sld [smem:$0x3FDB];
	_ =	sdelay $0x1  }
0x99: {  	s4 =	simm.s32 $_scs_section_size  }
0x9a: {  	s5 =	simm.s32 $_size__tile_overlayer_lowered;
	s6 =	simm.s32 $_tile_overlayer_lowered  }
0x9b: {  	s22 =	simm.s32 $0x1BFF;
	s21 =	sshll.u32 s6, $0x1;
	s3 =	sadd.s32 s4, s19  }
0x9c: {  	s7 =	simm.s32 $0x0;
	s20 =	sshll.u32 s5, $0x1;
	s5 =	sadd.s32 s21, s3  }
0x9d: {  	[timem:s7], [sflag:s22] =	dma.local [hbm:s5], s20  }
0x9e: {  	_ =	swait.ge [sflag:s22], s20  }
0x9f: {  	s4 =	ssub.s32 $0x0, s20;
	[sflag:s22] =	ssyncset.done $0x0  }
0xa0: {  	[sflag:s22] =	ssyncadd.s32 s4;
	_ =	sdelay $0x1  }
0xa1: {  	s23 =	simm.s32 $0x1B8B  }
0xa2: {  	_ =	swait.ge [sflag:s23], $0x1  }
0xa3: {  	[sflag:s23] =	ssyncset.done $0x0  }
0xa4: {  	s25 =	simm.s32 $0x1B8E;
	s24 =	sld [smem:$0x3FFE];
	[sflag:s23] =	ssyncadd.s32 $0xFFFFFFFF  }
0xa5: {  	s26 =	simm.s32 $execute0_lowered;
	[smem:$0x3FD2] =	sst s25  }
0xa6: {  	s5 =	sshll.u32 s26, $0x1;
	_ =	strace $0x80000046;
	[dreg:$0x1] =	wrdreg $0xFFFFFFFF  }
0xa7: {  	s28 =	simm.s32 $_size_execute0_lowered;
	s3 =	sadd.s32 s3, s5;
	[dreg:$0x0] =	wrdreg $0x0  }
0xa8: {  	s5 =	sshll.u32 s28, $0x1;
	[dreg:$0x2] =	wrdreg s3  }
0xa9: {  	[dreg:$0x3] =	wrdreg s5  }
0xaa: {  	[dreg:$0x4] =	wrdreg $0xC0  }
0xab: {  	_ =	task [dreg:s7], $0x5FFFF  }
0xac: {  	[dreg:$0x1] =	wrdreg $0xFFFFFFFF  }
0xad: {  	[dreg:$0x0] =	wrdreg $0x60  }
0xae: {  	[dreg:$0x2] =	wrdreg s24  }
0xaf: {  	[dreg:$0x3] =	wrdreg s2  }
0xb0: {  	[dreg:$0x4] =	wrdreg $0x9  }
0xb1: {  	_ =	task.clear_ibuf [dreg:s7], $0x5FFFF;
	_ =	strace $0x90000046  }
0xb2: {  	s29 =	simm.s32 $0x9;
	_ =	strace $0x80000048  }
0xb3: {  	_ =	swait.ge [sflag:s29], $0x1  }
0xb4: {  	[sflag:s29] =	ssyncadd.s32 $0xFFFFFFFF  }
0xb5: {  	_ =	strace $0x90000048  }
0xb6: {  	_ =	sfence  }
0xb7: {  	s30 =	sld [smem:$0x0];
	_ =	sdelay $0x2  }
0xb8: {  	s31 =	sshll.u32 s1, $0xD;
	s1 =	sshrl.u32 s1, $0x2  }
0xb9: {  	s3 =	sand.u32 $0x4000, s31;
	s1 =	sadd.s32 s1, s30  }
0xba: {  	s0 =	sor.u32 s3, s0;
	s1 =	sshll.u32 s1, $0x11  }
0xbb: {  	s0 =	sor.u32 s1, s0  }
0xbc: {  	s0 =	sadd.s32 $0x8F2B, s0  }
0xbd: {  	[sflag:s0] =	ssyncadd.remote.s32 $0x1  }
0xbe: {  	_ =	sfence.sel $0xFFFF  }
0xbf: {  	[dreg:$0x0] =	wrdreg $0xFFFFFFFF;
	(pc) =	sbr.abs _section_cstart, $3  }
0xc0: {  	[dreg:$0x1] =	wrdreg $0xFFFFFFFF  }
0xc1: {  	_ =	task.clear_ibuf [dreg:s7], $0x2FFFF;
	_ =	strace $0x9FFFFFFF  }
0xc2: {  	(tm) =	ssettm $0x7FFFFFFF  }
0xc3: {  	_ =	shalt  }
tec
execute0_lowered:
.L_overlay_start_1:
0x0: {  	(tag) =	ssettag $0x1  }
0x1: {  	s7 =	rddreg [dreg:$0x0]  }
0x2: {  	s2 =	rddreg [dreg:$0x1]  }
0x3: {  	s0 =	rddreg [dreg:$0x2]  }
0x4: {  	s1 =	srdreg.scid;
	_ =	strace $0x80000047;
	s4 =	simm.s32 $0x1  }
0x5: {  	s9 =	simm.s32 $0x3;
	s11 =	simm.s32 $0x0;
	s5 =	sshll.u32 s1, $0x4  }
.Ltmp0:
0x6: {  	s1 =	stileid.u32;
	s5 =	sand.u32 $0x10, s5;
	(pc) =	sbr.rel .LBB2_1-.Ltmp0, $4  }
0x7: {  	p0 =	por $0x0, $0x0;
	s3 =	sadd.s32 $0x2200, s7;
	s6 =	sor.u32 s1, s5  }
0x8: {  	[sflag:s4] =	ssyncpa.u1 $0x0;
	s5 =	simm.s32 $0x2;
	s6 =	sshll.u32 s6, $0x9  }
0x9: {  	s7 =	sadd.s32 $0x42200, s7;
	[sflag:s5] =	ssyncpa.u1 $0x0;
	s8 =	sadd.s32 $0x200, s6  }
0xa: {  	vm0 =	vmmov $0xff;
	vm1 =	vcmask $0x3F20;
	[sflag:s9] =	ssyncpa.u1 $0x0;
	s10 =	smov.u32 s6;
	s9 =	simm.s32 $0x0  }
.LBB2_7:
0xb: {  	p1 =	slt.u32 s9, $0x2;
	s11 =	sadd.s32 $0x100, s10  }
0xc: {  	s13 =	smov.u32 s6;
	s9 =	sadd.s32 $0x1, s9;
	p2 =	slt.s32 s11, s8  }
0xd: {  	s13 =	smov.u32 @p2 s11;
	p2 =	sne.s32 s9, $0x4  }
.Ltmp1:
0xe: {  	_ = 	snop;
	(pc) =	sbr.rel @!p2 .LBB2_8-.Ltmp1, $4  }
0xf: {  	s12 =	simm.s32 @!p1 $0x3  }
0x10: {  	_ =	swait.ge @!p1 [sflag:s12], $0x8000  }
0x11: {  	p0 =	por !p0, !p0;
	[sflag:s12] =	ssyncset.done @!p1 $0x0  }
0x12: {  	s11 =	smov.u32 s10;
	s10 =	smov.u32 s13;
	[sflag:s12] =	ssyncadd.s32 @!p1 $0xFFFF8000  }
.LBB2_1:
0x13: {  	p1 =	sgt.u32 s9, $0x1  }
0x14: {  	s12 =	sshll.u32 @!p1 s9, $0x8;
	s13 =	sshrl.u32 @!p1 s10, $0x3  }
0x15: {  	s14 =	sand.u32 @!p1 $0x7, s10;
	s12 =	sxor.u32 @!p1 $0x100, s12;
	s13 =	sadd.s32 @!p1 s2, s13  }
0x16: {  	[tilespmem:s12], [sflag:$0x2] =	stream.linear.gather @!p1 [hbm4b:s13+s14], $0x100, $0x38;
	[tilespmem:$0x10200] =	vst v63  }
0x17: {  	p1 =	seq.s32 s9, $0x0  }
0x18: {  	p2 =	seq.s32 @!p1 s9, $0x3  }
0x19: {  	p1 =	por p1, p2  }
.Ltmp2:
0x1a: {  	_ = 	snop;
	(pc) =	sbr.rel @p1 .LBB2_7-.Ltmp2, $1  }
0x1b: {  	_ =	sdelay $0x3  }
0x1c: {  	s12 =	simm.s32 $0x1  }
0x1d: {  	_ =	swait.ge [sflag:s5], $0x100;
	s12 =	simm.s32 @!p0 $0x0  }
0x1e: {  	[sflag:s5] =	ssyncset.done $0x0;
	s14 =	sshll.u32 s12, $0x8  }
0x1f: {  	[sflag:s5] =	ssyncadd.s32 $0xFFFFFF00;
	s13 =	sadd.s32 $0x0, s14  }
0x20: {  	v0 =	vld.msk [tilespmem:s13+$0x0 ss:$0x1], $0xffff;
	_ =	sdelay $0x4  }
0x21: {  	v1 =	vshll.u32 v0, $0x5  }
0x22: {  	vm2 =	veq.s32 v0, $0x80000000;
	v0 =	vshll.u32 v0, $0x13;
	v1 =	vand.u32 $0x7FF80, v1  }
0x23: {  	v0 =	vand.u32 $0x180000, v0;
	v1 =	vsel vm2, $0xFFFFFF80, v1  }
0x24: {  	v0 =	vsel vm2, $0xFFF80000, v0;
	v2 =	vand.u32 $0xFFFFFC00, v1  }
0x25: {  	v1 =	vand.u32 $0x380, v1;
	v0 =	vadd.s32 v0, v2  }
0x26: {  	v0 =	vor.u32 v1, v0  }
0x27: {  	v0 =	vshrl.u32 v0, $0x3;
	_ =	sdelay $0x2  }
0x28: {  	s12 =	sshll.u32 s12, $0xF  }
0x29: {  	s12 =	sor.u32 $0x200, s12  }
0x2a: {  	[tilespmem:s12], [sflag:$0x1] =	stream.indirect_vreg.gather [hbm:s3], $0x80, v0, vm0, $0x38;
	[tilespmem:$0x10200] =	vst v63  }
0x2b: {  	s15 =	sadd.s32 $0x10, s14;
	s13 =	sadd.s32 $0x400, s12  }
0x2c: {  	[tilespmem:s13], [sflag:$0x1] =	stream.indirect_vreg.gather [hbm:s3], $0x80, v0, vm1, $0x38;
	[tilespmem:$0x10200] =	vst v63  }
0x2d: {  	s16 =	simm.s32 $0x80;
	v0 =	vld.msk [tilespmem:s15+$0x0 ss:$0x1], $0xffff;
	s15 =	smov.u32 s12  }
.LBB2_3:
0x2e: {  	p1 =	sne.s32 s16, $0x3C0;
	_ =	sdelay $0x4  }
0x2f: {  	v1 =	vshll.u32 v0, $0x5  }
0x30: {  	vm2 =	veq.s32 v0, $0x80000000;
	v0 =	vshll.u32 v0, $0x13;
	v1 =	vand.u32 $0x7FF80, v1  }
0x31: {  	v0 =	vand.u32 $0x180000, v0;
	v1 =	vsel vm2, $0xFFFFFF80, v1  }
0x32: {  	v0 =	vsel vm2, $0xFFF80000, v0;
	v2 =	vand.u32 $0xFFFFFC00, v1  }
0x33: {  	v1 =	vand.u32 $0x380, v1;
	v0 =	vadd.s32 v0, v2  }
0x34: {  	v0 =	vor.u32 v1, v0  }
0x35: {  	v0 =	vshrl.u32 v0, $0x3;
	_ =	sdelay $0x3  }
.Ltmp3:
0x36: {  	s17 =	sshra.s32 s16, $0x2;
	s15 =	sadd.s32 $0x800, s15;
	(pc) =	sbr.rel @p1 .LBB2_3-.Ltmp3, $4  }
0x37: {  	[tilespmem:s15], [sflag:$0x1] =	stream.indirect_vreg.gather [hbm:s3], $0x80, v0, vm0, $0x38;
	[tilespmem:$0x10200] =	vst v63  }
0x38: {  	s17 =	sadd.s32 s17, s14;
	s18 =	sadd.s32 $0x400, s15  }
0x39: {  	[tilespmem:s18], [sflag:$0x1] =	stream.indirect_vreg.gather [hbm:s3], $0x80, v0, vm1, $0x38;
	[tilespmem:$0x10200] =	vst v63  }
0x3a: {  	s16 =	sadd.s32 $0x40, s16;
	v0 =	vld.msk [tilespmem:s17+$0x0 ss:$0x1], $0xffff  }
0x3b: {  	_ =	sdelay $0x3  }
0x3c: {  	v1 =	vshll.u32 v0, $0x5  }
0x3d: {  	vm2 =	veq.s32 v0, $0x80000000;
	v63 =	vshll.u32 v0, $0x13;
	v1 =	vand.u32 $0x7FF80, v1  }
0x3e: {  	v0 =	vand.u32 $0x180000, v63;
	v1 =	vsel vm2, $0xFFFFFF80, v1  }
0x3f: {  	v0 =	vsel vm2, $0xFFF80000, v0;
	v2 =	vand.u32 $0xFFFFFC00, v1  }
0x40: {  	v1 =	vand.u32 $0x380, v1;
	v0 =	vadd.s32 v0, v2  }
0x41: {  	v0 =	vor.u32 v1, v0  }
0x42: {  	v0 =	vshrl.u32 v0, $0x3;
	_ =	sdelay $0x3  }
0x43: {  	s14 =	sadd.s32 $0x800, s15  }
0x44: {  	[tilespmem:s14], [sflag:$0x1] =	stream.indirect_vreg.gather [hbm:s3], $0x80, v0, vm0, $0x38;
	[tilespmem:$0x10200] =	vst v63  }
0x45: {  	s14 =	sadd.s32 $0x400, s14  }
0x46: {  	[tilespmem:s14], [sflag:$0x1] =	stream.indirect_vreg.gather [hbm:s3], $0x80, v0, vm1, $0x38;
	[tilespmem:$0x10200] =	vst v63  }
0x47: {  	s11 =	sshll.u32 s11, $0x4;
	_ =	swait.ge [sflag:s4], $0x8000  }
0x48: {  	s11 =	sadd.s32 s11, s7;
	[sflag:s4] =	ssyncset.done $0x0  }
0x49: {  	s15 =	sadd.s32 $0x0, s11;
	s14 =	simm.s32 $0x80;
	[sflag:s4] =	ssyncadd.s32 $0xFFFF8000  }
.LBB2_5:
0x4a: {  	[hbm:s15] =	stream.linear.scatter [tilespmem:s12], [sflag:$0x3], $0x400, $0x38;
	[tilespmem:$0x10200] =	vst v63  }
0x4b: {  	s15 =	smov.u32 s14;
	s12 =	smov.u32 s13;
	p1 =	sne.s32 s14, $0xF80  }
.Ltmp4:
0x4c: {  	s14 =	sadd.s32 $0x80, s14;
	(pc) =	sbr.rel @p1 .LBB2_5-.Ltmp4, $2  }
0x4d: {  	_ =	sdelay $0x2  }
0x4e: {  	s13 =	sadd.s32 $0x400, s13;
	s15 =	sadd.s32 s15, s11  }
.Ltmp5:
0x4f: {  	(pc) =	sbr.rel .LBB2_7-.Ltmp5, $2  }
0x50: {  	_ =	sdelay $0x2  }
0x51: {  	[hbm:s15] =	stream.linear.scatter [tilespmem:s12], [sflag:$0x3], $0x400, $0x38;
	[tilespmem:$0x10200] =	vst v63  }
.LBB2_8:
0x52: {  	_ =	sfence.sel $0x180000  }
0x53: {  	s2 =	simm.s32 $0x2;
	[bflag:$0x0] =	sbarrier.arrive $0xFFFF  }
0x54: {  	s30 =	simm.s32 $0x3;
	[sflag:s2] =	ssyncpa.u1 $0x1  }
0x55: {  	s31 =	simm.s32 $0x1;
	[sflag:s30] =	ssyncpa.u1 $0x1  }
0x56: {  	[sflag:s31] =	ssyncpa.u1 $0x1  }
0x57: {  	p0 =	sne.s32 s1, $0x0;
	_ =	strace $0x90000047  }
0x58: {  	s0 =	sadd.s32 @!p0 $0x100000, s0;
	[bflag:$0x2] =	sbarrier.arrive $0xFFFF  }
0x59: {  	[sflag:s0] =	ssyncadd.tile.s32 @!p0 $0x1;
	_ =	shalt  }
.Lfunc_end2:
_tile_overlayer_lowered:
.L_overlay_start_2:
0x5a: {  	(tag) =	ssettag $0x2  }
0x5b: {  	s0 =	rddreg [dreg:$0x0];
	s2 =	stileid.u32  }
0x5c: {  	s1 =	rddreg [dreg:$0x1];
	p0 =	sne.s32 s2, $0x0  }
0x5d: {  	s3 =	rddreg [dreg:$0x2];
	[bflag:$0x3] =	sbarrier.arrive $0xFFFF;
	s2 =	simm.s32 @!p0 $0x1C01  }
0x5e: {  	[timem:s3], [sflag:s2] =	dma.local @!p0 [hbm:s0], s1  }
0x5f: {  	s0 =	simm.s32 @!p0 $0x1  }
0x60: {  	_ =	swait.ge @!p0 [sflag:s0], s1  }
0x61: {  	s1 =	ssub.s32 @!p0 $0x0, s1;
	[sflag:s0] =	ssyncset.done @!p0 $0x0  }
0x62: {  	[sflag:s0] =	ssyncadd.s32 @!p0 s1  }
0x63: {  	[bflag:$0x3] =	sbarrier.arrive $0xFFFF  }
0x64: {  	_ =	shalt  }

</sc_bundles>
